<compile_context>
chip_gen: v7x
topology: tpu7x:2x2x1
jax: 0.10.2.dev20260603
libtpu: 0.0.44.dev20260713+nightly
codegen_flags: <defaults>
</compile_context>

<pallas_src>
import functools

import numpy as np
import jax
import jax.numpy as jnp
from jax import lax
from jax.experimental import pallas as pl
from jax.experimental.pallas import tpu as pltpu
from jax.experimental.pallas import tpu_sc as plsc

_B, _C, _D = 4096, 14, 1024
_ROWS = _B * _C
_NW = 32
_RPW = _ROWS // _NW
_CHUNK = 56
_NCH = _RPW // _CHUNK


@functools.lru_cache(maxsize=None)
def _row_index_host() -> np.ndarray:
    perm = np.array([4, 2, 5, 3, 0, 1])
    src = np.arange(_C)
    src[0:6] = perm
    src[7:13] = 7 + perm
    r = np.arange(_ROWS)
    idx = src[r // _B] * _B + (r % _B)
    return idx.astype(np.int32).reshape(_NW * _NCH, _CHUNK)


_mesh = plsc.VectorSubcoreMesh(core_axis_name="c", subcore_axis_name="s")


@functools.partial(
    pl.kernel,
    mesh=_mesh,
    out_type=jax.ShapeDtypeStruct((_ROWS, _D), jnp.float32),
    scratch_types=[
        pltpu.VMEM((_NCH, _CHUNK), jnp.int32),
        pltpu.VMEM((_CHUNK, _D), jnp.float32),
        pltpu.VMEM((_CHUNK, _D), jnp.float32),
        pltpu.SemaphoreType.DMA,
        pltpu.SemaphoreType.DMA,
        pltpu.SemaphoreType.DMA,
        pltpu.SemaphoreType.DMA,
    ],
)
def _shuffle(in_hbm, idx_hbm, out_hbm, idx_v, buf0, buf1, gsem0, gsem1,
             ssem0, ssem1):
    wid = lax.axis_index("s") * 2 + lax.axis_index("c")
    pltpu.sync_copy(idx_hbm.at[pl.ds(wid * _NCH, _NCH)], idx_v)
    base = wid * _RPW

    def gather(j, buf, sem):
        return pltpu.async_copy(in_hbm.at[idx_v.at[j]], buf, sem)

    def store(j, buf, sem):
        return pltpu.async_copy(
            buf, out_hbm.at[pl.ds(base + j * _CHUNK, _CHUNK)], sem)

    gather(0, buf0, gsem0)
    gather(1, buf1, gsem1)

    @pl.loop(0, _NCH - 2, step=2)
    def _steady(jj):
        pltpu.make_async_copy(in_hbm.at[idx_v.at[jj]], buf0, gsem0).wait()
        s0 = store(jj, buf0, ssem0)
        pltpu.make_async_copy(in_hbm.at[idx_v.at[jj + 1]], buf1, gsem1).wait()
        s1 = store(jj + 1, buf1, ssem1)
        s0.wait()
        gather(jj + 2, buf0, gsem0)
        s1.wait()
        gather(jj + 3, buf1, gsem1)

    pltpu.make_async_copy(in_hbm.at[idx_v.at[_NCH - 2]], buf0, gsem0).wait()
    s0 = store(_NCH - 2, buf0, ssem0)
    pltpu.make_async_copy(in_hbm.at[idx_v.at[_NCH - 1]], buf1, gsem1).wait()
    s1 = store(_NCH - 1, buf1, ssem1)
    s0.wait()
    s1.wait()


def kernel(chromatogram_batch):
    x = chromatogram_batch.transpose(1, 0, 2).reshape(_ROWS, _D)
    idx = jnp.asarray(_row_index_host())
    out = _shuffle(x, idx)
    return out.reshape(_C, _B, _D).transpose(1, 0, 2)

# --- scband reference (transcript-rebuilt; emitter-appended) ---
"""Pipeline reference for scband-chromatogram-shuffler-20109036880382 (READ-ONLY COPY).

The authoritative reference and input builder live on the scoring server;
editing this copy changes nothing except your own understanding.
"""

import jax, jax.numpy as jnp
import numpy as np

NUM_CHANNELS = 14

def setup_inputs(seed: int = 0) -> dict:
    key = jax.random.key(seed)
    chromatogram_batch = jax.random.normal(key, (4096, 14, 1024), dtype=jnp.float32)
    return {"chromatogram_batch": chromatogram_batch}

def reference(chromatogram_batch):
    # torch.randperm(6) replaced by a deterministic JAX permutation for reproducibility
    shuffled_indices = jax.random.permutation(jax.random.key(42), 6)
    # chromatogram_batch[:, 0:6] = chromatogram_batch[:, 0:6][:, shuffled_indices]
    x = chromatogram_batch.at[:, 0:6].set(
        jnp.take(chromatogram_batch[:, 0:6], shuffled_indices, axis=1)
    )
    if NUM_CHANNELS == 14:
        # channels 7:13 are untouched by the first write, so reading from x is
        # equivalent to reading from the original tensor (matches torch in-place semantics)
        x = x.at[:, 7:13].set(
            jnp.take(x[:, 7:13], shuffled_indices, axis=1)
        )
    return x

if __name__ == "__main__":
    import jax
    _d = setup_inputs()
    print(jax.jit(kernel)(*tuple(_d.values())))

</pallas_src>

<mosaic_0001>
#map = affine_map<(d0, d1) -> (0, 0)>
module attributes {stable_mosaic.version = 14 : i64} {
  func.func @_shuffle(%arg0: i32, %arg1: i32, %arg2: memref<57344x1024xf32, #tpu.memory_space<hbm>>, %arg3: memref<1024x56xi32, #tpu.memory_space<hbm>>, %arg4: memref<57344x1024xf32, #tpu.memory_space<hbm>>, %arg5: memref<32x56xi32, #tpu.memory_space<vmem>>, %arg6: memref<56x1024xf32, #tpu.memory_space<vmem>>, %arg7: memref<56x1024xf32, #tpu.memory_space<vmem>>, %arg8: memref<!tpu.dma_semaphore, #tpu.memory_space<semaphore_mem>>, %arg9: memref<!tpu.dma_semaphore, #tpu.memory_space<semaphore_mem>>, %arg10: memref<!tpu.dma_semaphore, #tpu.memory_space<semaphore_mem>>, %arg11: memref<!tpu.dma_semaphore, #tpu.memory_space<semaphore_mem>>) attributes {dimension_semantics = [#tpu.dimension_semantics<core_parallel>, #tpu.dimension_semantics<subcore_parallel>], iteration_bounds = array<i64: 2, 16>, scalar_prefetch = 0 : i64, scratch_operands = 7 : i64, tpu.core_type = #tpu.core_type<sc_vector_subcore>, window_params = [{transform_indices = #map}, {transform_indices = #map}, {transform_indices = #map}]} {
    %mul3A = arith.constant 2 : i32
    %mul3A_0 = arith.muli %arg1, %mul3A : i32
    %add3A = arith.addi %mul3A_0, %arg0 : i32
    %mul3A_1 = arith.constant 32 : i32
    %mul3A_2 = arith.muli %add3A, %mul3A_1 : i32
    "tpu.region"() ({
      %run_scoped3A = tpu.sem_alloc : memref<!tpu.dma_semaphore, #tpu.memory_space<semaphore_mem>>
      %dma_start3A_55 = arith.constant 0 : i32
      %dma_start3A_56 = tpu.memref_slice %arg3[%mul3A_2, %dma_start3A_55] : memref<1024x56xi32, #tpu.memory_space<hbm>> -> memref<32x56xi32, #tpu.memory_space<hbm>>
      %dma_start3A_57 = arith.constant 0 : i32
      %dma_start3A_58 = tpu.memref_slice %arg3[%mul3A_2, %dma_start3A_57] : memref<1024x56xi32, #tpu.memory_space<hbm>> -> memref<32x56xi32, #tpu.memory_space<hbm>>
      tpu.enqueue_dma source(%dma_start3A_58 : memref<32x56xi32, #tpu.memory_space<hbm>>) target(%arg5 : memref<32x56xi32, #tpu.memory_space<vmem>>) target_semaphore(%run_scoped3A : memref<!tpu.dma_semaphore, #tpu.memory_space<semaphore_mem>>)
      %dma_wait3A_59 = arith.constant 0 : i32
      %dma_wait3A_60 = tpu.memref_slice %arg3[%mul3A_2, %dma_wait3A_59] : memref<1024x56xi32, #tpu.memory_space<hbm>> -> memref<32x56xi32, #tpu.memory_space<hbm>>
      %dma_wait3A_61 = arith.constant 0 : i32
      %dma_wait3A_62 = tpu.memref_slice %arg3[%mul3A_2, %dma_wait3A_61] : memref<1024x56xi32, #tpu.memory_space<hbm>> -> memref<32x56xi32, #tpu.memory_space<hbm>>
      tpu.wait_dma2 semaphore(%run_scoped3A : memref<!tpu.dma_semaphore, #tpu.memory_space<semaphore_mem>>) src(%dma_wait3A_62 : memref<32x56xi32, #tpu.memory_space<hbm>>) dst(%arg5 : memref<32x56xi32, #tpu.memory_space<vmem>>)
      tpu.yield
    }) : () -> ()
    %mul3A_3 = arith.constant 1792 : i32
    %mul3A_4 = arith.muli %add3A, %mul3A_3 : i32
    %dma_start3A = arith.constant 0 : i32
    %dma_start3A_5 = arith.constant 0 : i32
    %dma_start3A_6 = tpu.memref_slice %arg5[%dma_start3A, %dma_start3A_5] : memref<32x56xi32, #tpu.memory_space<vmem>> -> memref<1x56xi32, #tpu.memory_space<vmem>>
    %dma_start3A_7 = tpu.memref_squeeze %dma_start3A_6 : memref<1x56xi32, #tpu.memory_space<vmem>> -> memref<56xi32, #tpu.memory_space<vmem>>
    %dma_start3A_8 = arith.constant 0 : i32
    %dma_start3A_9 = arith.constant 0 : i32
    %dma_start3A_10 = tpu.memref_slice %arg2[%dma_start3A_8, %dma_start3A_9] : memref<57344x1024xf32, #tpu.memory_space<hbm>> -> memref<57344x1024xf32, #tpu.memory_space<hbm>>
    tpu.enqueue_indirect_dma source(%dma_start3A_10 : memref<57344x1024xf32, #tpu.memory_space<hbm>>) target(%arg6 : memref<56x1024xf32, #tpu.memory_space<vmem>>) offsets(%dma_start3A_7 : memref<56xi32, #tpu.memory_space<vmem>>) semaphore(%arg8 : memref<!tpu.dma_semaphore, #tpu.memory_space<semaphore_mem>>)
    %dma_start3A_11 = arith.constant 1 : i32
    %dma_start3A_12 = arith.constant 0 : i32
    %dma_start3A_13 = tpu.memref_slice %arg5[%dma_start3A_11, %dma_start3A_12] : memref<32x56xi32, #tpu.memory_space<vmem>> -> memref<1x56xi32, #tpu.memory_space<vmem>>
    %dma_start3A_14 = tpu.memref_squeeze %dma_start3A_13 : memref<1x56xi32, #tpu.memory_space<vmem>> -> memref<56xi32, #tpu.memory_space<vmem>>
    %dma_start3A_15 = arith.constant 0 : i32
    %dma_start3A_16 = arith.constant 0 : i32
    %dma_start3A_17 = tpu.memref_slice %arg2[%dma_start3A_15, %dma_start3A_16] : memref<57344x1024xf32, #tpu.memory_space<hbm>> -> memref<57344x1024xf32, #tpu.memory_space<hbm>>
    tpu.enqueue_indirect_dma source(%dma_start3A_17 : memref<57344x1024xf32, #tpu.memory_space<hbm>>) target(%arg7 : memref<56x1024xf32, #tpu.memory_space<vmem>>) offsets(%dma_start3A_14 : memref<56xi32, #tpu.memory_space<vmem>>) semaphore(%arg9 : memref<!tpu.dma_semaphore, #tpu.memory_space<semaphore_mem>>)
    %scan3A = arith.constant 0 : i32
    %scan3A_18 = arith.constant 15 : i32
    %scan3A_19 = arith.addi %scan3A, %scan3A_18 : i32
    %scan3A_20 = arith.constant 1 : i32
    scf.for %scan3A_55 = %scan3A to %scan3A_19 step %scan3A_20  : i32 {
      %mul3A_56 = arith.constant 2 : i32
      %mul3A_57 = arith.muli %scan3A_55, %mul3A_56 : i32
      %add3A_58 = arith.constant 0 : i32
      %add3A_59 = arith.addi %add3A_58, %mul3A_57 : i32
      %dma_wait3A_60 = arith.constant 0 : i32
      %dma_wait3A_61 = tpu.memref_slice %arg5[%add3A_59, %dma_wait3A_60] : memref<32x56xi32, #tpu.memory_space<vmem>> -> memref<1x56xi32, #tpu.memory_space<vmem>>
      %dma_wait3A_62 = tpu.memref_squeeze %dma_wait3A_61 : memref<1x56xi32, #tpu.memory_space<vmem>> -> memref<56xi32, #tpu.memory_space<vmem>>
      %dma_wait3A_63 = arith.constant 0 : i32
      %dma_wait3A_64 = arith.constant 0 : i32
      %dma_wait3A_65 = tpu.memref_slice %arg2[%dma_wait3A_63, %dma_wait3A_64] : memref<57344x1024xf32, #tpu.memory_space<hbm>> -> memref<57344x1024xf32, #tpu.memory_space<hbm>>
      tpu.wait_indirect_dma semaphore(%arg8 : memref<!tpu.dma_semaphore, #tpu.memory_space<semaphore_mem>>) src(%dma_wait3A_65 : memref<57344x1024xf32, #tpu.memory_space<hbm>>) dst(%arg6 : memref<56x1024xf32, #tpu.memory_space<vmem>>)
      %mul3A_66 = arith.constant 56 : i32
      %mul3A_67 = arith.muli %add3A_59, %mul3A_66 : i32
      %add3A_68 = arith.addi %mul3A_4, %mul3A_67 : i32
      %dma_start3A_69 = arith.constant 0 : i32
      %dma_start3A_70 = tpu.memref_slice %arg4[%add3A_68, %dma_start3A_69] : memref<57344x1024xf32, #tpu.memory_space<hbm>> -> memref<56x1024xf32, #tpu.memory_space<hbm>>
      %dma_start3A_71 = arith.constant 0 : i32
      %dma_start3A_72 = tpu.memref_slice %arg4[%add3A_68, %dma_start3A_71] : memref<57344x1024xf32, #tpu.memory_space<hbm>> -> memref<56x1024xf32, #tpu.memory_space<hbm>>
      tpu.enqueue_dma source(%arg6 : memref<56x1024xf32, #tpu.memory_space<vmem>>) target(%dma_start3A_72 : memref<56x1024xf32, #tpu.memory_space<hbm>>) target_semaphore(%arg10 : memref<!tpu.dma_semaphore, #tpu.memory_space<semaphore_mem>>)
      %add3A_73 = arith.constant 1 : i32
      %add3A_74 = arith.addi %add3A_59, %add3A_73 : i32
      %dma_wait3A_75 = arith.constant 0 : i32
      %dma_wait3A_76 = tpu.memref_slice %arg5[%add3A_74, %dma_wait3A_75] : memref<32x56xi32, #tpu.memory_space<vmem>> -> memref<1x56xi32, #tpu.memory_space<vmem>>
      %dma_wait3A_77 = tpu.memref_squeeze %dma_wait3A_76 : memref<1x56xi32, #tpu.memory_space<vmem>> -> memref<56xi32, #tpu.memory_space<vmem>>
      %dma_wait3A_78 = arith.constant 0 : i32
      %dma_wait3A_79 = arith.constant 0 : i32
      %dma_wait3A_80 = tpu.memref_slice %arg2[%dma_wait3A_78, %dma_wait3A_79] : memref<57344x1024xf32, #tpu.memory_space<hbm>> -> memref<57344x1024xf32, #tpu.memory_space<hbm>>
      tpu.wait_indirect_dma semaphore(%arg9 : memref<!tpu.dma_semaphore, #tpu.memory_space<semaphore_mem>>) src(%dma_wait3A_80 : memref<57344x1024xf32, #tpu.memory_space<hbm>>) dst(%arg7 : memref<56x1024xf32, #tpu.memory_space<vmem>>)
      %add3A_81 = arith.constant 1 : i32
      %add3A_82 = arith.addi %add3A_59, %add3A_81 : i32
      %mul3A_83 = arith.constant 56 : i32
      %mul3A_84 = arith.muli %add3A_82, %mul3A_83 : i32
      %add3A_85 = arith.addi %mul3A_4, %mul3A_84 : i32
      %dma_start3A_86 = arith.constant 0 : i32
      %dma_start3A_87 = tpu.memref_slice %arg4[%add3A_85, %dma_start3A_86] : memref<57344x1024xf32, #tpu.memory_space<hbm>> -> memref<56x1024xf32, #tpu.memory_space<hbm>>
      %dma_start3A_88 = arith.constant 0 : i32
      %dma_start3A_89 = tpu.memref_slice %arg4[%add3A_85, %dma_start3A_88] : memref<57344x1024xf32, #tpu.memory_space<hbm>> -> memref<56x1024xf32, #tpu.memory_space<hbm>>
      tpu.enqueue_dma source(%arg7 : memref<56x1024xf32, #tpu.memory_space<vmem>>) target(%dma_start3A_89 : memref<56x1024xf32, #tpu.memory_space<hbm>>) target_semaphore(%arg11 : memref<!tpu.dma_semaphore, #tpu.memory_space<semaphore_mem>>)
      %dma_wait3A_90 = arith.constant 0 : i32
      %dma_wait3A_91 = tpu.memref_slice %arg4[%add3A_68, %dma_wait3A_90] : memref<57344x1024xf32, #tpu.memory_space<hbm>> -> memref<56x1024xf32, #tpu.memory_space<hbm>>
      %dma_wait3A_92 = arith.constant 0 : i32
      %dma_wait3A_93 = tpu.memref_slice %arg4[%add3A_68, %dma_wait3A_92] : memref<57344x1024xf32, #tpu.memory_space<hbm>> -> memref<56x1024xf32, #tpu.memory_space<hbm>>
      tpu.wait_dma2 semaphore(%arg10 : memref<!tpu.dma_semaphore, #tpu.memory_space<semaphore_mem>>) src(%arg6 : memref<56x1024xf32, #tpu.memory_space<vmem>>) dst(%dma_wait3A_93 : memref<56x1024xf32, #tpu.memory_space<hbm>>)
      %add3A_94 = arith.constant 2 : i32
      %add3A_95 = arith.addi %add3A_59, %add3A_94 : i32
      %dma_start3A_96 = arith.constant 0 : i32
      %dma_start3A_97 = tpu.memref_slice %arg5[%add3A_95, %dma_start3A_96] : memref<32x56xi32, #tpu.memory_space<vmem>> -> memref<1x56xi32, #tpu.memory_space<vmem>>
      %dma_start3A_98 = tpu.memref_squeeze %dma_start3A_97 : memref<1x56xi32, #tpu.memory_space<vmem>> -> memref<56xi32, #tpu.memory_space<vmem>>
      %dma_start3A_99 = arith.constant 0 : i32
      %dma_start3A_100 = arith.constant 0 : i32
      %dma_start3A_101 = tpu.memref_slice %arg2[%dma_start3A_99, %dma_start3A_100] : memref<57344x1024xf32, #tpu.memory_space<hbm>> -> memref<57344x1024xf32, #tpu.memory_space<hbm>>
      tpu.enqueue_indirect_dma source(%dma_start3A_101 : memref<57344x1024xf32, #tpu.memory_space<hbm>>) target(%arg6 : memref<56x1024xf32, #tpu.memory_space<vmem>>) offsets(%dma_start3A_98 : memref<56xi32, #tpu.memory_space<vmem>>) semaphore(%arg8 : memref<!tpu.dma_semaphore, #tpu.memory_space<semaphore_mem>>)
      %dma_wait3A_102 = arith.constant 0 : i32
      %dma_wait3A_103 = tpu.memref_slice %arg4[%add3A_85, %dma_wait3A_102] : memref<57344x1024xf32, #tpu.memory_space<hbm>> -> memref<56x1024xf32, #tpu.memory_space<hbm>>
      %dma_wait3A_104 = arith.constant 0 : i32
      %dma_wait3A_105 = tpu.memref_slice %arg4[%add3A_85, %dma_wait3A_104] : memref<57344x1024xf32, #tpu.memory_space<hbm>> -> memref<56x1024xf32, #tpu.memory_space<hbm>>
      tpu.wait_dma2 semaphore(%arg11 : memref<!tpu.dma_semaphore, #tpu.memory_space<semaphore_mem>>) src(%arg7 : memref<56x1024xf32, #tpu.memory_space<vmem>>) dst(%dma_wait3A_105 : memref<56x1024xf32, #tpu.memory_space<hbm>>)
      %add3A_106 = arith.constant 3 : i32
      %add3A_107 = arith.addi %add3A_59, %add3A_106 : i32
      %dma_start3A_108 = arith.constant 0 : i32
      %dma_start3A_109 = tpu.memref_slice %arg5[%add3A_107, %dma_start3A_108] : memref<32x56xi32, #tpu.memory_space<vmem>> -> memref<1x56xi32, #tpu.memory_space<vmem>>
      %dma_start3A_110 = tpu.memref_squeeze %dma_start3A_109 : memref<1x56xi32, #tpu.memory_space<vmem>> -> memref<56xi32, #tpu.memory_space<vmem>>
      %dma_start3A_111 = arith.constant 0 : i32
      %dma_start3A_112 = arith.constant 0 : i32
      %dma_start3A_113 = tpu.memref_slice %arg2[%dma_start3A_111, %dma_start3A_112] : memref<57344x1024xf32, #tpu.memory_space<hbm>> -> memref<57344x1024xf32, #tpu.memory_space<hbm>>
      tpu.enqueue_indirect_dma source(%dma_start3A_113 : memref<57344x1024xf32, #tpu.memory_space<hbm>>) target(%arg7 : memref<56x1024xf32, #tpu.memory_space<vmem>>) offsets(%dma_start3A_110 : memref<56xi32, #tpu.memory_space<vmem>>) semaphore(%arg9 : memref<!tpu.dma_semaphore, #tpu.memory_space<semaphore_mem>>)
    }
    %scan3A_21 = arith.constant 15 : i32
    %dma_wait3A = arith.constant 30 : i32
    %dma_wait3A_22 = arith.constant 0 : i32
    %dma_wait3A_23 = tpu.memref_slice %arg5[%dma_wait3A, %dma_wait3A_22] : memref<32x56xi32, #tpu.memory_space<vmem>> -> memref<1x56xi32, #tpu.memory_space<vmem>>
    %dma_wait3A_24 = tpu.memref_squeeze %dma_wait3A_23 : memref<1x56xi32, #tpu.memory_space<vmem>> -> memref<56xi32, #tpu.memory_space<vmem>>
    %dma_wait3A_25 = arith.constant 0 : i32
    %dma_wait3A_26 = arith.constant 0 : i32
    %dma_wait3A_27 = tpu.memref_slice %arg2[%dma_wait3A_25, %dma_wait3A_26] : memref<57344x1024xf32, #tpu.memory_space<hbm>> -> memref<57344x1024xf32, #tpu.memory_space<hbm>>
    tpu.wait_indirect_dma semaphore(%arg8 : memref<!tpu.dma_semaphore, #tpu.memory_space<semaphore_mem>>) src(%dma_wait3A_27 : memref<57344x1024xf32, #tpu.memory_space<hbm>>) dst(%arg6 : memref<56x1024xf32, #tpu.memory_space<vmem>>)
    %add3A_28 = arith.constant 1680 : i32
    %add3A_29 = arith.addi %mul3A_4, %add3A_28 : i32
    %dma_start3A_30 = arith.constant 0 : i32
    %dma_start3A_31 = tpu.memref_slice %arg4[%add3A_29, %dma_start3A_30] : memref<57344x1024xf32, #tpu.memory_space<hbm>> -> memref<56x1024xf32, #tpu.memory_space<hbm>>
    %dma_start3A_32 = arith.constant 0 : i32
    %dma_start3A_33 = tpu.memref_slice %arg4[%add3A_29, %dma_start3A_32] : memref<57344x1024xf32, #tpu.memory_space<hbm>> -> memref<56x1024xf32, #tpu.memory_space<hbm>>
    tpu.enqueue_dma source(%arg6 : memref<56x1024xf32, #tpu.memory_space<vmem>>) target(%dma_start3A_33 : memref<56x1024xf32, #tpu.memory_space<hbm>>) target_semaphore(%arg10 : memref<!tpu.dma_semaphore, #tpu.memory_space<semaphore_mem>>)
    %dma_wait3A_34 = arith.constant 31 : i32
    %dma_wait3A_35 = arith.constant 0 : i32
    %dma_wait3A_36 = tpu.memref_slice %arg5[%dma_wait3A_34, %dma_wait3A_35] : memref<32x56xi32, #tpu.memory_space<vmem>> -> memref<1x56xi32, #tpu.memory_space<vmem>>
    %dma_wait3A_37 = tpu.memref_squeeze %dma_wait3A_36 : memref<1x56xi32, #tpu.memory_space<vmem>> -> memref<56xi32, #tpu.memory_space<vmem>>
    %dma_wait3A_38 = arith.constant 0 : i32
    %dma_wait3A_39 = arith.constant 0 : i32
    %dma_wait3A_40 = tpu.memref_slice %arg2[%dma_wait3A_38, %dma_wait3A_39] : memref<57344x1024xf32, #tpu.memory_space<hbm>> -> memref<57344x1024xf32, #tpu.memory_space<hbm>>
    tpu.wait_indirect_dma semaphore(%arg9 : memref<!tpu.dma_semaphore, #tpu.memory_space<semaphore_mem>>) src(%dma_wait3A_40 : memref<57344x1024xf32, #tpu.memory_space<hbm>>) dst(%arg7 : memref<56x1024xf32, #tpu.memory_space<vmem>>)
    %add3A_41 = arith.constant 1736 : i32
    %add3A_42 = arith.addi %mul3A_4, %add3A_41 : i32
    %dma_start3A_43 = arith.constant 0 : i32
    %dma_start3A_44 = tpu.memref_slice %arg4[%add3A_42, %dma_start3A_43] : memref<57344x1024xf32, #tpu.memory_space<hbm>> -> memref<56x1024xf32, #tpu.memory_space<hbm>>
    %dma_start3A_45 = arith.constant 0 : i32
    %dma_start3A_46 = tpu.memref_slice %arg4[%add3A_42, %dma_start3A_45] : memref<57344x1024xf32, #tpu.memory_space<hbm>> -> memref<56x1024xf32, #tpu.memory_space<hbm>>
    tpu.enqueue_dma source(%arg7 : memref<56x1024xf32, #tpu.memory_space<vmem>>) target(%dma_start3A_46 : memref<56x1024xf32, #tpu.memory_space<hbm>>) target_semaphore(%arg11 : memref<!tpu.dma_semaphore, #tpu.memory_space<semaphore_mem>>)
    %dma_wait3A_47 = arith.constant 0 : i32
    %dma_wait3A_48 = tpu.memref_slice %arg4[%add3A_29, %dma_wait3A_47] : memref<57344x1024xf32, #tpu.memory_space<hbm>> -> memref<56x1024xf32, #tpu.memory_space<hbm>>
    %dma_wait3A_49 = arith.constant 0 : i32
    %dma_wait3A_50 = tpu.memref_slice %arg4[%add3A_29, %dma_wait3A_49] : memref<57344x1024xf32, #tpu.memory_space<hbm>> -> memref<56x1024xf32, #tpu.memory_space<hbm>>
    tpu.wait_dma2 semaphore(%arg10 : memref<!tpu.dma_semaphore, #tpu.memory_space<semaphore_mem>>) src(%arg6 : memref<56x1024xf32, #tpu.memory_space<vmem>>) dst(%dma_wait3A_50 : memref<56x1024xf32, #tpu.memory_space<hbm>>)
    %dma_wait3A_51 = arith.constant 0 : i32
    %dma_wait3A_52 = tpu.memref_slice %arg4[%add3A_42, %dma_wait3A_51] : memref<57344x1024xf32, #tpu.memory_space<hbm>> -> memref<56x1024xf32, #tpu.memory_space<hbm>>
    %dma_wait3A_53 = arith.constant 0 : i32
    %dma_wait3A_54 = tpu.memref_slice %arg4[%add3A_42, %dma_wait3A_53] : memref<57344x1024xf32, #tpu.memory_space<hbm>> -> memref<56x1024xf32, #tpu.memory_space<hbm>>
    tpu.wait_dma2 semaphore(%arg11 : memref<!tpu.dma_semaphore, #tpu.memory_space<semaphore_mem>>) src(%arg7 : memref<56x1024xf32, #tpu.memory_space<vmem>>) dst(%dma_wait3A_54 : memref<56x1024xf32, #tpu.memory_space<hbm>>)
    return
  }
}

</mosaic_0001>

<sc_bundles>
// kernel: kernel.3.cloned.1.call-start
scs
__scs_entry_jumppad:
0x0: {  	(pc) =	sbr.rel $0x88, $3  }
0x1: {  	(tag) =	ssettag $0x0;
	lr =	simm.s32 $0x1  }
0x2: {  	[smem:$0x3FA0] =	sst lr;
	_ =	strace $0xD0000000  }
0x3: {  	_ = 	snop  }
0x4: {  	_ = 	snop  }
0x5: {  	_ = 	snop  }
0x6: {  	_ = 	snop  }
0x7: {  	_ = 	snop  }
__scs_overlays_trampoline_lowered:
0x8: {  	[smem:$0x3FAF] =	sst s0  }
0x9: {  	[smem:$0x3FB0] =	sst s1  }
0xa: {  	[smem:$0x3FB1] =	sst s2  }
0xb: {  	[smem:$0x3FB2] =	sst s3  }
0xc: {  	[smem:$0x3FB3] =	sst s4  }
0xd: {  	[smem:$0x3FB4] =	sst s5  }
0xe: {  	[smem:$0x3FB5] =	sst s6  }
0xf: {  	[smem:$0x3FB6] =	sst s7  }
0x10: {  	[smem:$0x3FB7] =	sst s8  }
0x11: {  	[smem:$0x3FB8] =	sst s9;
	s0 =	simm.s32 @!p0 $0x0  }
0x12: {  	s1 =	sld [smem:$0x3F9E];
	s0 =	simm.s32 @p0 $0x1  }
0x13: {  	[smem:$0x3FB9] =	sst s0;
	s0 =	simm.s32 @!p1 $0x0  }
0x14: {  	s2 =	sld [smem:$0x3F9D];
	s0 =	simm.s32 @p1 $0x1  }
0x15: {  	[smem:$0x3FBA] =	sst s0;
	s0 =	simm.s32 @!p2 $0x0  }
0x16: {  	s3 =	sld [smem:$0x3FDB];
	s0 =	simm.s32 @p2 $0x1  }
0x17: {  	s4 =	simm.s32 $0x1BF5;
	[smem:$0x3FBC] =	sst s0  }
0x18: {  	s0 =	sld [smem:$0x3F9F];
	_ =	swait.ge [sflag:s4], $0x0  }
0x19: {  	s7 =	sld [smem:$0x3FA0]  }
0x1a: {  	s8 =	sadd.s32 $0xFFFFE003, lr  }
0x1b: {  	s9 =	sadd.s32 $0xFFFFFEF7, lr;
	s5 =	simm.s32 $0xFFFFFFFF;
	p2 =	slt.u32 s8, $0xFFFFF086  }
0x1c: {  	p1 =	slt.u32 s9, $0xF7A;
	s5 =	simm.s32 @!p2 $0x0  }
0x1d: {  	s5 =	simm.s32 @p1 $0x1;
	p0 =	seq.s32 s7, s2  }
0x1e: {  	s7 =	smul.u32 @!p0 $0xF7A, s2;
	p2 =	seq.s32 @!p0 s5, $0x0  }
0x1f: {  	s9 =	smul.u32 $0xF7A, s1;
	s8 =	simm.s32 @!p0 $0x1BF5;
	p2 =	por !p2, p0  }
0x20: {  	[sflag:s8] =	ssyncset.s32 @!p0 $0xFFFFF086;
	s6 =	sadd.s32 @!p0 s3, s7;
	s7 =	simm.s32 @!p0 $0x108  }
0x21: {  	s3 =	sadd.s32 s3, s9;
	s6 =	sadd.s32 @!p0 $0x88, s6;
	s7 =	simm.s32 @p2 $0x1082  }
0x22: {  	[simem:s7], [sflag:s8] =	dma.local @!p0 [hbm:s6], $0xF7A  }
0x23: {  	s9 =	sor.u32 $0xD0000000, s2;
	s6 =	simm.s32 $0x108;
	_ =	swait.ge @!p0 [sflag:s8], $0x0  }
0x24: {  	s3 =	sadd.s32 $0x88, s3;
	s6 =	simm.s32 @!p1 $0x1082;
	[sflag:s4] =	ssyncset.s32 $0xFFFFF086  }
0x25: {  	[simem:s6], [sflag:s4] =	dma.local [hbm:s3], $0xF7A  }
0x26: {  	[smem:$0x3FA0] =	sst s1;
	(tag) =	ssettag s2;
	_ =	strace s9  }
0x27: {  	s1 =	sld [smem:$0x3FB0]  }
0x28: {  	s2 =	sld [smem:$0x3FB1]  }
0x29: {  	s4 =	sld [smem:$0x3FB3]  }
0x2a: {  	p0 =	seq.s32 s5, $0x0;
	s5 =	sld [smem:$0x3FB4]  }
0x2b: {  	s6 =	sld [smem:$0x3FB5]  }
0x2c: {  	s7 =	sld [smem:$0x3FB6]  }
0x2d: {  	s3 =	simm.s32 $0x108;
	s8 =	sld [smem:$0x3FB7]  }
0x2e: {  	s3 =	simm.s32 @!p0 $0x1082;
	s9 =	sld [smem:$0x3FB8]  }
0x2f: {  	lr =	sadd.s32 s0, s3;
	s0 =	sld [smem:$0x3FAF]  }
0x30: {  	s3 =	sld [smem:$0x3FB2]  }
0x31: {  	[smem:$0x3FBB] =	sst s10  }
0x32: {  	s10 =	sld [smem:$0x3FB9];
	_ =	sdelay $0x3  }
0x33: {  	p0 =	seq.s32 s10, $0x1;
	s10 =	sld [smem:$0x3FBB];
	_ =	sdelay $0x3  }
0x34: {  	[smem:$0x3FBB] =	sst s10  }
0x35: {  	s10 =	sld [smem:$0x3FBA];
	_ =	sdelay $0x3  }
0x36: {  	p1 =	seq.s32 s10, $0x1;
	s10 =	sld [smem:$0x3FBB];
	_ =	sdelay $0x3  }
0x37: {  	[smem:$0x3FBB] =	sst s10  }
0x38: {  	s10 =	sld [smem:$0x3FBC]  }
0x39: {  	_ = 	snop;
	(pc) =	sbr.ind lr, $3  }
0x3a: {  	_ = 	snop  }
0x3b: {  	_ = 	snop  }
0x3c: {  	p2 =	seq.s32 s10, $0x1;
	s10 =	sld [smem:$0x3FBB]  }
0x3d: {  	_ =	shalt  }
0x3e: {  	_ =	shalt  }
0x3f: {  	_ =	shalt  }
0x40: {  	_ =	shalt  }
0x41: {  	_ =	shalt  }
0x42: {  	_ =	shalt  }
0x43: {  	_ =	shalt  }
0x44: {  	_ =	shalt  }
0x45: {  	_ =	shalt  }
0x46: {  	_ =	shalt  }
0x47: {  	_ =	shalt  }
0x48: {  	_ =	shalt  }
0x49: {  	_ =	shalt  }
0x4a: {  	_ =	shalt  }
0x4b: {  	_ =	shalt  }
0x4c: {  	_ =	shalt  }
0x4d: {  	_ =	shalt  }
0x4e: {  	_ =	shalt  }
0x4f: {  	_ =	shalt  }
0x50: {  	_ =	shalt  }
0x51: {  	_ =	shalt  }
0x52: {  	_ =	shalt  }
0x53: {  	_ =	shalt  }
0x54: {  	_ =	shalt  }
0x55: {  	_ =	shalt  }
0x56: {  	_ =	shalt  }
0x57: {  	_ =	shalt  }
0x58: {  	_ =	shalt  }
0x59: {  	_ =	shalt  }
0x5a: {  	_ =	shalt  }
0x5b: {  	_ =	shalt  }
0x5c: {  	_ =	shalt  }
0x5d: {  	_ =	shalt  }
0x5e: {  	_ =	shalt  }
0x5f: {  	_ =	shalt  }
0x60: {  	_ =	shalt  }
0x61: {  	_ =	shalt  }
0x62: {  	_ =	shalt  }
0x63: {  	_ =	shalt  }
0x64: {  	_ =	shalt  }
0x65: {  	_ =	shalt  }
0x66: {  	_ =	shalt  }
0x67: {  	_ =	shalt  }
0x68: {  	_ =	shalt  }
0x69: {  	_ =	shalt  }
0x6a: {  	_ =	shalt  }
0x6b: {  	_ =	shalt  }
0x6c: {  	_ =	shalt  }
0x6d: {  	_ =	shalt  }
0x6e: {  	_ =	shalt  }
0x6f: {  	_ =	shalt  }
0x70: {  	_ =	shalt  }
0x71: {  	_ =	shalt  }
0x72: {  	_ =	shalt  }
0x73: {  	_ =	shalt  }
0x74: {  	_ =	shalt  }
0x75: {  	_ =	shalt  }
0x76: {  	_ =	shalt  }
0x77: {  	_ =	shalt  }
0x78: {  	_ =	shalt  }
0x79: {  	_ =	shalt  }
0x7a: {  	_ =	shalt  }
0x7b: {  	_ =	shalt  }
0x7c: {  	_ =	shalt  }
0x7d: {  	_ =	shalt  }
0x7e: {  	_ =	shalt  }
0x7f: {  	_ =	shalt  }
0x80: {  	_ =	shalt  }
0x81: {  	_ =	shalt  }
0x82: {  	_ =	shalt  }
0x83: {  	_ =	shalt  }
0x84: {  	_ =	shalt  }
0x85: {  	_ =	shalt  }
0x86: {  	_ =	shalt  }
0x87: {  	_ =	shalt  }
.Lfunc_end0:
.L_simem_size_0:
called_computation_lowered:
.L_overlay_start_0:
0x88: {  	s2 =	sld [smem:$0x3FD9]  }
0x89: {  	s3 =	sld [smem:$0x3FFE];
	_ =	sdelay $0x1  }
0x8a: {  	s1 =	srdreg.scid  }
0x8b: {  	s0 =	sand.u32 $0x1, s1  }
0x8c: {  	s17 =	sshll.u32 s0, $0xA;
	s2 =	sadd.s32 s3, s2  }
0x8d: {  	s2 =	sadd.s32 s2, s17  }
0x8e: {  	[smem:$0x3FC7] =	sst s2  }
0x8f: {  	_ = 	snop  }
0x90: {  	s2 =	sld [smem:$0x3FC9]  }
0x91: {  	s18 =	sld [smem:$0x3FD0];
	(tm) =	ssettm $0x1  }
0x92: {  	s4 =	sld [smem:$0x3FFB];
	_ =	sdelay $0x3  }
0x93: {  	_ =	strace s4  }
0x94: {  	s4 =	sld [smem:$0x3FFC];
	_ =	sdelay $0x3  }
0x95: {  	_ =	strace s4  }
0x96: {  	s4 =	sld [smem:$0x3FFD];
	_ =	sdelay $0x3  }
0x97: {  	_ =	strace s4  }
0x98: {  	_ =	strace $0x8FFFFFFF  }
0x99: {  	s19 =	sld [smem:$0x3FDB];
	_ =	sdelay $0x1  }
0x9a: {  	s5 =	simm.s32 $_scs_section_size  }
0x9b: {  	s6 =	simm.s32 $_size__tile_overlayer_lowered;
	s7 =	simm.s32 $_tile_overlayer_lowered  }
0x9c: {  	s22 =	simm.s32 $0x1BFF;
	s21 =	sshll.u32 s7, $0x1;
	s4 =	sadd.s32 s5, s19  }
0x9d: {  	s8 =	simm.s32 $0x0;
	s20 =	sshll.u32 s6, $0x1;
	s6 =	sadd.s32 s21, s4  }
0x9e: {  	[timem:s8], [sflag:s22] =	dma.local [hbm:s6], s20  }
0x9f: {  	_ =	swait.ge [sflag:s22], s20  }
0xa0: {  	s5 =	ssub.s32 $0x0, s20;
	[sflag:s22] =	ssyncset.done $0x0  }
0xa1: {  	[sflag:s22] =	ssyncadd.s32 s5;
	_ =	sdelay $0x1  }
0xa2: {  	s23 =	simm.s32 $0x1B8B  }
0xa3: {  	_ =	swait.ge [sflag:s23], $0x1  }
0xa4: {  	[sflag:s23] =	ssyncset.done $0x0  }
0xa5: {  	s25 =	simm.s32 $0x1B8E;
	s24 =	sld [smem:$0x3FFE];
	[sflag:s23] =	ssyncadd.s32 $0xFFFFFFFF  }
0xa6: {  	s26 =	simm.s32 $execute0_lowered;
	[smem:$0x3FD2] =	sst s25  }
0xa7: {  	s6 =	sshll.u32 s26, $0x1;
	_ =	strace $0x80000046;
	[dreg:$0x1] =	wrdreg $0xFFFFFFFF  }
0xa8: {  	s28 =	simm.s32 $_size_execute0_lowered;
	s4 =	sadd.s32 s4, s6;
	[dreg:$0x0] =	wrdreg $0x0  }
0xa9: {  	s6 =	sshll.u32 s28, $0x1;
	[dreg:$0x2] =	wrdreg s4  }
0xaa: {  	[dreg:$0x3] =	wrdreg s6  }
0xab: {  	[dreg:$0x4] =	wrdreg $0xC0  }
0xac: {  	_ =	task [dreg:s8], $0x5FFFF  }
0xad: {  	[dreg:$0x1] =	wrdreg $0xFFFFFFFF  }
0xae: {  	[dreg:$0x0] =	wrdreg $0x60  }
0xaf: {  	[dreg:$0x2] =	wrdreg s2  }
0xb0: {  	[dreg:$0x3] =	wrdreg s24  }
0xb1: {  	[dreg:$0x4] =	wrdreg s18  }
0xb2: {  	[dreg:$0x5] =	wrdreg $0x9  }
0xb3: {  	_ =	task.clear_ibuf [dreg:s8], $0x6FFFF;
	_ =	strace $0x90000046  }
0xb4: {  	s29 =	simm.s32 $0x9;
	_ =	strace $0x80000048  }
0xb5: {  	_ =	swait.ge [sflag:s29], $0x1  }
0xb6: {  	[sflag:s29] =	ssyncadd.s32 $0xFFFFFFFF  }
0xb7: {  	_ =	strace $0x90000048  }
0xb8: {  	_ =	sfence  }
0xb9: {  	s30 =	sld [smem:$0x0];
	_ =	sdelay $0x2  }
0xba: {  	s31 =	sshll.u32 s1, $0xD;
	s1 =	sshrl.u32 s1, $0x2  }
0xbb: {  	s3 =	sand.u32 $0x4000, s31;
	s1 =	sadd.s32 s1, s30  }
0xbc: {  	s0 =	sor.u32 s3, s0;
	s1 =	sshll.u32 s1, $0x11  }
0xbd: {  	s0 =	sor.u32 s1, s0  }
0xbe: {  	s0 =	sadd.s32 $0x8F2B, s0  }
0xbf: {  	[sflag:s0] =	ssyncadd.remote.s32 $0x1  }
0xc0: {  	_ =	sfence.sel $0xFFFF  }
0xc1: {  	[dreg:$0x0] =	wrdreg $0xFFFFFFFF;
	(pc) =	sbr.abs _section_cstart, $3  }
0xc2: {  	[dreg:$0x1] =	wrdreg $0xFFFFFFFF  }
0xc3: {  	_ =	task.clear_ibuf [dreg:s8], $0x2FFFF;
	_ =	strace $0x9FFFFFFF  }
0xc4: {  	(tm) =	ssettm $0x7FFFFFFF  }
0xc5: {  	_ =	shalt  }
tec
execute0_lowered:
.L_overlay_start_1:
0x0: {  	(tag) =	ssettag $0x1  }
0x1: {  	s1 =	rddreg [dreg:$0x0]  }
0x2: {  	s0 =	rddreg [dreg:$0x1];
	s2 =	srdreg.scid  }
0x3: {  	s10 =	stileid.u32;
	s4 =	rddreg [dreg:$0x2]  }
0x4: {  	s3 =	simm.s32 $0x0;
	s15 =	simm.s32 $0x1000;
	s28 =	simm.s32 $0x3000  }
0x5: {  	s29 =	simm.s32 $0x3800;
	s30 =	simm.s32 $0x4000;
	s18 =	simm.s32 $0x4800  }
0x6: {  	s11 =	simm.s32 $0x7800;
	s13 =	simm.s32 $0x8000;
	s14 =	simm.s32 $0x8800  }
0x7: {  	s16 =	simm.s32 $0x9000;
	s17 =	simm.s32 $0x9800;
	s12 =	simm.s32 $0xA800  }
0x8: {  	s31 =	simm.s32 $0xB000;
	s19 =	simm.s32 $0x1;
	s20 =	simm.s32 $0x2  }
0x9: {  	s2 =	sand.u32 $0x1, s2;
	s5 =	sshll.u32 s10, $0x1;
	[smem:$0x7FF] =	sst s3  }
0xa: {  	s23 =	smul.u32 $0x70000, s10;
	s10 =	simm.s32 $0x7000;
	s5 =	sor.u32 s2, s5  }
0xb: {  	s7 =	ssub.s32 $0x2, s2;
	_ =	strace $0x80000047;
	s2 =	smul.u32 $0x38000, s2  }
0xc: {  	s6 =	sshll.u32 s5, $0x9;
	s21 =	sshrl.u32 s7, $0x1;
	s8 =	smul.u32 $0x1C0000, s5  }
0xd: {  	s5 =	sadd.s32 $0x100, s1;
	s0 =	sadd.s32 s6, s0;
	s9 =	ssub.s32 s7, s21  }
0xe: {  	s6 =	sadd.s32 $0x200, s1;
	s7 =	sadd.s32 $0x300, s1;
	s21 =	simm.s32 $0x3  }
0xf: {  	s0 =	sadd.s32 $0x400, s0;
	s22 =	sshrl.u32 s8, $0x3;
	s25 =	smax.u32 s9, $0x1  }
0x10: {  	s8 =	simm.s32 $0x6000;
	[dreg:$0x5] =	wrdreg s0;
	s0 =	sadd.s32 s4, s22  }
0x11: {  	s4 =	sadd.s32 s23, s4;
	[dreg:$0x8] =	wrdreg s25;
	s23 =	simm.s32 $0x0  }
0x12: {  	s9 =	simm.s32 $0x6800;
	s24 =	sadd.s32 $0x34800, s0;
	[dreg:$0x9] =	wrdreg s23  }
0x13: {  	s25 =	simm.s32 $0x1800;
	s0 =	sadd.s32 $0x36400, s0;
	[dreg:$0x6] =	wrdreg s24  }
0x14: {  	v2 =	vlaneseq.u32;
	s22 =	simm.s32 $0x4;
	s26 =	sadd.s32 s2, s4;
	[dreg:$0x7] =	wrdreg s0  }
0x15: {  	vm0 =	vmmov $0xffff;
	v1 =	vshrl.u32 v2, $0x3;
	s4 =	simm.s32 $0x5800;
	s2 =	simm.s32 $0xF000;
	[dreg:$0x4] =	wrdreg s26  }
0x16: {  	v0 =	vand.u32 $0x7, v2;
	v2 =	vor.u32 $0x8, v2;
	v1 =	vmul.u32 $0x8, v1;
	s24 =	simm.s32 $0x2000;
	s26 =	simm.s32 $0x2800;
	s0 =	simm.s32 $0x5000  }
.LBB2_1:
0x17: {  	s23 =	rddreg [dreg:$0x5]  }
0x18: {  	[tilespmem:s3], [sflag:$0x5] =	stream.linear.gather [hbm4b:s23+s3], $0x1000, $0x38;
	[tilespmem:$0x1D000] =	vst v63  }
0x19: {  	s23 =	simm.s32 $0x5  }
0x1a: {  	_ =	swait.ge [sflag:s23], $0x1000  }
0x1b: {  	[sflag:s23] =	ssyncset.done $0x0  }
0x1c: {  	[sflag:s23] =	ssyncadd.s32 $0xFFFFF000  }
0x1d: {  	v3 =	vld [tilespmem:$0x0];
	_ =	sdelay $0x4  }
0x1e: {  	v4 =	vshll.u32 v3, $0x3  }
0x1f: {  	v3 =	vand.u32 $0x7, v3;
	v4 =	vand.u32 $0xFFFFFFC0, v4  }
0x20: {  	v3 =	vor.u32 v3, v4  }
0x21: {  	v4 =	vperm.xlane v3, v0;
	_ =	sdelay $0x1  }
0x22: {  	v4 =	vadd.s32 v1, v4;
	_ =	sdelay $0x4  }
0x23: {  	[tilespmem:s15], [sflag:$0x1] =	stream.indirect_vreg.gather [hbm4b:s1+s3], $0x80, v4, vm0, $0xb8;
	[tilespmem:$0x1D000] =	vst v63  }
0x24: {  	v3 =	vperm.xlane v3, v2  }
0x25: {  	[tilespmem:s25], [sflag:$0x1] =	stream.indirect_vreg.gather [hbm4b:s5+s3], $0x80, v4, vm0, $0xb8;
	[tilespmem:$0x1D000] =	vst v63  }
0x26: {  	v3 =	vadd.s32 v1, v3  }
0x27: {  	[tilespmem:s24], [sflag:$0x1] =	stream.indirect_vreg.gather [hbm4b:s6+s3], $0x80, v4, vm0, $0xb8;
	[tilespmem:$0x1D000] =	vst v63  }
0x28: {  	_ = 	snop  }
0x29: {  	[tilespmem:s26], [sflag:$0x1] =	stream.indirect_vreg.gather [hbm4b:s7+s3], $0x80, v4, vm0, $0xb8;
	[tilespmem:$0x1D000] =	vst v63  }
0x2a: {  	_ = 	snop  }
0x2b: {  	[tilespmem:s28], [sflag:$0x1] =	stream.indirect_vreg.gather [hbm4b:s1+s3], $0x80, v3, vm0, $0xb8;
	[tilespmem:$0x1D000] =	vst v63  }
0x2c: {  	_ = 	snop  }
0x2d: {  	[tilespmem:s29], [sflag:$0x1] =	stream.indirect_vreg.gather [hbm4b:s5+s3], $0x80, v3, vm0, $0xb8;
	[tilespmem:$0x1D000] =	vst v63  }
0x2e: {  	_ = 	snop  }
0x2f: {  	[tilespmem:s30], [sflag:$0x1] =	stream.indirect_vreg.gather [hbm4b:s6+s3], $0x80, v3, vm0, $0xb8;
	[tilespmem:$0x1D000] =	vst v63  }
0x30: {  	_ = 	snop  }
0x31: {  	[tilespmem:s18], [sflag:$0x1] =	stream.indirect_vreg.gather [hbm4b:s7+s3], $0x80, v3, vm0, $0xb8;
	[tilespmem:$0x1D000] =	vst v63  }
0x32: {  	v3 =	vld [tilespmem:$0x10];
	_ =	sdelay $0x4  }
0x33: {  	v57 =	vshll.u32 v3, $0x3  }
0x34: {  	v3 =	vand.u32 $0x7, v3;
	v4 =	vand.u32 $0xFFFFFFC0, v57  }
0x35: {  	v3 =	vor.u32 v3, v4  }
0x36: {  	v4 =	vperm.xlane v3, v0;
	_ =	sdelay $0x1  }
0x37: {  	v4 =	vadd.s32 v1, v4;
	_ =	sdelay $0x4  }
0x38: {  	[tilespmem:s0], [sflag:$0x1] =	stream.indirect_vreg.gather [hbm4b:s1+s3], $0x80, v4, vm0, $0xb8;
	[tilespmem:$0x1D000] =	vst v63  }
0x39: {  	v3 =	vperm.xlane v3, v2  }
0x3a: {  	[tilespmem:s4], [sflag:$0x1] =	stream.indirect_vreg.gather [hbm4b:s5+s3], $0x80, v4, vm0, $0xb8;
	[tilespmem:$0x1D000] =	vst v63  }
0x3b: {  	v3 =	vadd.s32 v1, v3  }
0x3c: {  	[tilespmem:s8], [sflag:$0x1] =	stream.indirect_vreg.gather [hbm4b:s6+s3], $0x80, v4, vm0, $0xb8;
	[tilespmem:$0x1D000] =	vst v63  }
0x3d: {  	_ = 	snop  }
0x3e: {  	[tilespmem:s9], [sflag:$0x1] =	stream.indirect_vreg.gather [hbm4b:s7+s3], $0x80, v4, vm0, $0xb8;
	[tilespmem:$0x1D000] =	vst v63  }
0x3f: {  	_ = 	snop  }
0x40: {  	[tilespmem:s10], [sflag:$0x1] =	stream.indirect_vreg.gather [hbm4b:s1+s3], $0x80, v3, vm0, $0xb8;
	[tilespmem:$0x1D000] =	vst v63  }
0x41: {  	_ = 	snop  }
0x42: {  	[tilespmem:s11], [sflag:$0x1] =	stream.indirect_vreg.gather [hbm4b:s5+s3], $0x80, v3, vm0, $0xb8;
	[tilespmem:$0x1D000] =	vst v63  }
0x43: {  	_ = 	snop  }
0x44: {  	[tilespmem:s13], [sflag:$0x1] =	stream.indirect_vreg.gather [hbm4b:s6+s3], $0x80, v3, vm0, $0xb8;
	[tilespmem:$0x1D000] =	vst v63  }
0x45: {  	_ = 	snop  }
0x46: {  	[tilespmem:s14], [sflag:$0x1] =	stream.indirect_vreg.gather [hbm4b:s7+s3], $0x80, v3, vm0, $0xb8;
	[tilespmem:$0x1D000] =	vst v63  }
0x47: {  	v3 =	vld [tilespmem:$0x20];
	_ =	sdelay $0x4  }
0x48: {  	v58 =	vshll.u32 v3, $0x3  }
0x49: {  	v3 =	vand.u32 $0x7, v3;
	v4 =	vand.u32 $0xFFFFFFC0, v58  }
0x4a: {  	v3 =	vor.u32 v3, v4  }
0x4b: {  	v4 =	vperm.xlane v3, v0;
	_ =	sdelay $0x1  }
0x4c: {  	v4 =	vadd.s32 v1, v4;
	_ =	sdelay $0x4  }
0x4d: {  	[tilespmem:s16], [sflag:$0x1] =	stream.indirect_vreg.gather [hbm4b:s1+s3], $0x80, v4, vm0, $0xb8;
	[tilespmem:$0x1D000] =	vst v63  }
0x4e: {  	v3 =	vperm.xlane v3, v2  }
0x4f: {  	[tilespmem:s17], [sflag:$0x1] =	stream.indirect_vreg.gather [hbm4b:s5+s3], $0x80, v4, vm0, $0xb8;
	[tilespmem:$0x1D000] =	vst v63  }
0x50: {  	s10 =	simm.s32 $0xA000;
	v3 =	vadd.s32 v1, v3  }
0x51: {  	[tilespmem:s10], [sflag:$0x1] =	stream.indirect_vreg.gather [hbm4b:s6+s3], $0x80, v4, vm0, $0xb8;
	[tilespmem:$0x1D000] =	vst v63  }
0x52: {  	_ = 	snop  }
0x53: {  	[tilespmem:s12], [sflag:$0x1] =	stream.indirect_vreg.gather [hbm4b:s7+s3], $0x80, v4, vm0, $0xb8;
	[tilespmem:$0x1D000] =	vst v63  }
0x54: {  	_ = 	snop  }
0x55: {  	[tilespmem:s31], [sflag:$0x1] =	stream.indirect_vreg.gather [hbm4b:s1+s3], $0x80, v3, vm0, $0xb8;
	[tilespmem:$0x1D000] =	vst v63  }
0x56: {  	s11 =	simm.s32 $0xB800  }
0x57: {  	[tilespmem:s11], [sflag:$0x1] =	stream.indirect_vreg.gather [hbm4b:s5+s3], $0x80, v3, vm0, $0xb8;
	[tilespmem:$0x1D000] =	vst v63  }
0x58: {  	s12 =	simm.s32 $0xC000  }
0x59: {  	[tilespmem:s12], [sflag:$0x1] =	stream.indirect_vreg.gather [hbm4b:s6+s3], $0x80, v3, vm0, $0xb8;
	[tilespmem:$0x1D000] =	vst v63  }
0x5a: {  	s13 =	simm.s32 $0xC800  }
0x5b: {  	[tilespmem:s13], [sflag:$0x1] =	stream.indirect_vreg.gather [hbm4b:s7+s3], $0x80, v3, vm0, $0xb8;
	[tilespmem:$0x1D000] =	vst v63  }
0x5c: {  	v3 =	vld.msk [tilespmem:$0x30], $0xff;
	_ =	sdelay $0x4  }
0x5d: {  	v59 =	vshll.u32 v3, $0x3  }
0x5e: {  	v3 =	vand.u32 $0x7, v3;
	v4 =	vand.u32 $0xFFFFFFC0, v59  }
0x5f: {  	v3 =	vor.u32 v3, v4  }
0x60: {  	v3 =	vperm.xlane v3, v0;
	_ =	sdelay $0x1  }
0x61: {  	v3 =	vadd.s32 v1, v3;
	_ =	sdelay $0x3  }
0x62: {  	s14 =	simm.s32 $0xD000  }
0x63: {  	[tilespmem:s14], [sflag:$0x1] =	stream.indirect_vreg.gather [hbm4b:s1+s3], $0x80, v3, vm0, $0xb8;
	[tilespmem:$0x1D000] =	vst v63  }
0x64: {  	s15 =	simm.s32 $0xD800  }
0x65: {  	[tilespmem:s15], [sflag:$0x1] =	stream.indirect_vreg.gather [hbm4b:s5+s3], $0x80, v3, vm0, $0xb8;
	[tilespmem:$0x1D000] =	vst v63  }
0x66: {  	s16 =	simm.s32 $0xE000  }
0x67: {  	[tilespmem:s16], [sflag:$0x1] =	stream.indirect_vreg.gather [hbm4b:s6+s3], $0x80, v3, vm0, $0xb8;
	[tilespmem:$0x1D000] =	vst v63  }
0x68: {  	s17 =	simm.s32 $0xE800  }
0x69: {  	[tilespmem:s17], [sflag:$0x1] =	stream.indirect_vreg.gather [hbm4b:s7+s3], $0x80, v3, vm0, $0xb8;
	[tilespmem:$0x1D000] =	vst v63  }
0x6a: {  	v3 =	vld [tilespmem:$0x80];
	_ =	sdelay $0x4  }
0x6b: {  	v60 =	vshll.u32 v3, $0x3  }
0x6c: {  	v3 =	vand.u32 $0x7, v3;
	v4 =	vand.u32 $0xFFFFFFC0, v60  }
0x6d: {  	v3 =	vor.u32 v3, v4  }
0x6e: {  	v4 =	vperm.xlane v3, v0;
	_ =	sdelay $0x1  }
0x6f: {  	v4 =	vadd.s32 v1, v4;
	_ =	sdelay $0x4  }
0x70: {  	[tilespmem:s2], [sflag:$0x2] =	stream.indirect_vreg.gather [hbm4b:s1+s3], $0x80, v4, vm0, $0xb8;
	[tilespmem:$0x1D000] =	vst v63  }
0x71: {  	s18 =	simm.s32 $0xF800;
	v3 =	vperm.xlane v3, v2  }
0x72: {  	[tilespmem:s18], [sflag:$0x2] =	stream.indirect_vreg.gather [hbm4b:s5+s3], $0x80, v4, vm0, $0xb8;
	[tilespmem:$0x1D000] =	vst v63  }
0x73: {  	s23 =	simm.s32 $0x10000;
	v3 =	vadd.s32 v1, v3  }
0x74: {  	[tilespmem:s23], [sflag:$0x2] =	stream.indirect_vreg.gather [hbm4b:s6+s3], $0x80, v4, vm0, $0xb8;
	[tilespmem:$0x1D000] =	vst v63  }
0x75: {  	s24 =	simm.s32 $0x10800  }
0x76: {  	[tilespmem:s24], [sflag:$0x2] =	stream.indirect_vreg.gather [hbm4b:s7+s3], $0x80, v4, vm0, $0xb8;
	[tilespmem:$0x1D000] =	vst v63  }
0x77: {  	s25 =	simm.s32 $0x11000  }
0x78: {  	[tilespmem:s25], [sflag:$0x2] =	stream.indirect_vreg.gather [hbm4b:s1+s3], $0x80, v3, vm0, $0xb8;
	[tilespmem:$0x1D000] =	vst v63  }
0x79: {  	s26 =	simm.s32 $0x11800  }
0x7a: {  	[tilespmem:s26], [sflag:$0x2] =	stream.indirect_vreg.gather [hbm4b:s5+s3], $0x80, v3, vm0, $0xb8;
	[tilespmem:$0x1D000] =	vst v63  }
0x7b: {  	s30 =	simm.s32 $0x12000  }
0x7c: {  	[tilespmem:s30], [sflag:$0x2] =	stream.indirect_vreg.gather [hbm4b:s6+s3], $0x80, v3, vm0, $0xb8;
	[tilespmem:$0x1D000] =	vst v63  }
0x7d: {  	s2 =	simm.s32 $0x12800  }
0x7e: {  	[tilespmem:s2], [sflag:$0x2] =	stream.indirect_vreg.gather [hbm4b:s7+s3], $0x80, v3, vm0, $0xb8;
	[tilespmem:$0x1D000] =	vst v63  }
0x7f: {  	v3 =	vld [tilespmem:$0x90];
	_ =	sdelay $0x4  }
0x80: {  	v61 =	vshll.u32 v3, $0x3  }
0x81: {  	v3 =	vand.u32 $0x7, v3;
	v4 =	vand.u32 $0xFFFFFFC0, v61  }
0x82: {  	v3 =	vor.u32 v3, v4  }
0x83: {  	v4 =	vperm.xlane v3, v0;
	_ =	sdelay $0x1  }
0x84: {  	v4 =	vadd.s32 v1, v4;
	_ =	sdelay $0x3  }
0x85: {  	s4 =	simm.s32 $0x13000  }
0x86: {  	[tilespmem:s4], [sflag:$0x2] =	stream.indirect_vreg.gather [hbm4b:s1+s3], $0x80, v4, vm0, $0xb8;
	[tilespmem:$0x1D000] =	vst v63  }
0x87: {  	s8 =	simm.s32 $0x13800;
	v3 =	vperm.xlane v3, v2  }
0x88: {  	[tilespmem:s8], [sflag:$0x2] =	stream.indirect_vreg.gather [hbm4b:s5+s3], $0x80, v4, vm0, $0xb8;
	[tilespmem:$0x1D000] =	vst v63  }
0x89: {  	s9 =	simm.s32 $0x14000;
	v3 =	vadd.s32 v1, v3  }
0x8a: {  	[tilespmem:s9], [sflag:$0x2] =	stream.indirect_vreg.gather [hbm4b:s6+s3], $0x80, v4, vm0, $0xb8;
	[tilespmem:$0x1D000] =	vst v63  }
0x8b: {  	s10 =	simm.s32 $0x14800  }
0x8c: {  	[tilespmem:s10], [sflag:$0x2] =	stream.indirect_vreg.gather [hbm4b:s7+s3], $0x80, v4, vm0, $0xb8;
	[tilespmem:$0x1D000] =	vst v63  }
0x8d: {  	s11 =	simm.s32 $0x15000  }
0x8e: {  	[tilespmem:s11], [sflag:$0x2] =	stream.indirect_vreg.gather [hbm4b:s1+s3], $0x80, v3, vm0, $0xb8;
	[tilespmem:$0x1D000] =	vst v63  }
0x8f: {  	s12 =	simm.s32 $0x15800  }
0x90: {  	[tilespmem:s12], [sflag:$0x2] =	stream.indirect_vreg.gather [hbm4b:s5+s3], $0x80, v3, vm0, $0xb8;
	[tilespmem:$0x1D000] =	vst v63  }
0x91: {  	s13 =	simm.s32 $0x16000  }
0x92: {  	[tilespmem:s13], [sflag:$0x2] =	stream.indirect_vreg.gather [hbm4b:s6+s3], $0x80, v3, vm0, $0xb8;
	[tilespmem:$0x1D000] =	vst v63  }
0x93: {  	s14 =	simm.s32 $0x16800  }
0x94: {  	[tilespmem:s14], [sflag:$0x2] =	stream.indirect_vreg.gather [hbm4b:s7+s3], $0x80, v3, vm0, $0xb8;
	[tilespmem:$0x1D000] =	vst v63  }
0x95: {  	v3 =	vld [tilespmem:$0xA0];
	_ =	sdelay $0x4  }
0x96: {  	v62 =	vshll.u32 v3, $0x3  }
0x97: {  	v3 =	vand.u32 $0x7, v3;
	v4 =	vand.u32 $0xFFFFFFC0, v62  }
0x98: {  	v3 =	vor.u32 v3, v4  }
0x99: {  	v4 =	vperm.xlane v3, v0;
	_ =	sdelay $0x1  }
0x9a: {  	v4 =	vadd.s32 v1, v4;
	_ =	sdelay $0x3  }
0x9b: {  	s15 =	simm.s32 $0x17000  }
0x9c: {  	[tilespmem:s15], [sflag:$0x2] =	stream.indirect_vreg.gather [hbm4b:s1+s3], $0x80, v4, vm0, $0xb8;
	[tilespmem:$0x1D000] =	vst v63  }
0x9d: {  	s16 =	simm.s32 $0x17800;
	v3 =	vperm.xlane v3, v2  }
0x9e: {  	[tilespmem:s16], [sflag:$0x2] =	stream.indirect_vreg.gather [hbm4b:s5+s3], $0x80, v4, vm0, $0xb8;
	[tilespmem:$0x1D000] =	vst v63  }
0x9f: {  	s17 =	simm.s32 $0x18000;
	v3 =	vadd.s32 v1, v3  }
0xa0: {  	[tilespmem:s17], [sflag:$0x2] =	stream.indirect_vreg.gather [hbm4b:s6+s3], $0x80, v4, vm0, $0xb8;
	[tilespmem:$0x1D000] =	vst v63  }
0xa1: {  	s18 =	simm.s32 $0x18800  }
0xa2: {  	[tilespmem:s18], [sflag:$0x2] =	stream.indirect_vreg.gather [hbm4b:s7+s3], $0x80, v4, vm0, $0xb8;
	[tilespmem:$0x1D000] =	vst v63  }
0xa3: {  	s23 =	simm.s32 $0x19000  }
0xa4: {  	[tilespmem:s23], [sflag:$0x2] =	stream.indirect_vreg.gather [hbm4b:s1+s3], $0x80, v3, vm0, $0xb8;
	[tilespmem:$0x1D000] =	vst v63  }
0xa5: {  	s24 =	simm.s32 $0x19800  }
0xa6: {  	[tilespmem:s24], [sflag:$0x2] =	stream.indirect_vreg.gather [hbm4b:s5+s3], $0x80, v3, vm0, $0xb8;
	[tilespmem:$0x1D000] =	vst v63  }
0xa7: {  	s25 =	simm.s32 $0x1A000  }
0xa8: {  	[tilespmem:s25], [sflag:$0x2] =	stream.indirect_vreg.gather [hbm4b:s6+s3], $0x80, v3, vm0, $0xb8;
	[tilespmem:$0x1D000] =	vst v63  }
0xa9: {  	s26 =	simm.s32 $0x1A800  }
0xaa: {  	[tilespmem:s26], [sflag:$0x2] =	stream.indirect_vreg.gather [hbm4b:s7+s3], $0x80, v3, vm0, $0xb8;
	[tilespmem:$0x1D000] =	vst v63  }
0xab: {  	v3 =	vld.msk [tilespmem:$0xB0], $0xff;
	_ =	sdelay $0x4  }
0xac: {  	v63 =	vshll.u32 v3, $0x3  }
0xad: {  	v3 =	vand.u32 $0x7, v3;
	v4 =	vand.u32 $0xFFFFFFC0, v63  }
0xae: {  	v3 =	vor.u32 v3, v4  }
0xaf: {  	v3 =	vperm.xlane v3, v0;
	_ =	sdelay $0x1  }
0xb0: {  	v3 =	vadd.s32 v1, v3  }
0xb1: {  	s28 =	simm.s32 $0xB000  }
0xb2: {  	s29 =	simm.s32 $0x1B800;
	s0 =	simm.s32 $0x5000;
	s31 =	simm.s32 $0x1C000  }
0xb3: {  	s30 =	simm.s32 $0x1B000;
	s4 =	simm.s32 $0x5800;
	s8 =	simm.s32 $0x6000  }
0xb4: {  	s9 =	simm.s32 $0x6800;
	s10 =	simm.s32 $0x7000;
	s11 =	simm.s32 $0x7800  }
0xb5: {  	[tilespmem:s30], [sflag:$0x2] =	stream.indirect_vreg.gather [hbm4b:s1+s3], $0x80, v3, vm0, $0xb8;
	[tilespmem:$0x1D000] =	vst v63  }
0xb6: {  	s12 =	simm.s32 $0xA800;
	s13 =	simm.s32 $0x8000;
	s14 =	simm.s32 $0x8800  }
0xb7: {  	[tilespmem:s29], [sflag:$0x2] =	stream.indirect_vreg.gather [hbm4b:s5+s3], $0x80, v3, vm0, $0xb8;
	[tilespmem:$0x1D000] =	vst v63  }
0xb8: {  	s16 =	simm.s32 $0x9000;
	s17 =	simm.s32 $0x9800;
	s18 =	simm.s32 $0xA000  }
0xb9: {  	[tilespmem:s31], [sflag:$0x2] =	stream.indirect_vreg.gather [hbm4b:s6+s3], $0x80, v3, vm0, $0xb8;
	[tilespmem:$0x1D000] =	vst v63  }
0xba: {  	s23 =	simm.s32 $0x1B0;
	s24 =	simm.s32 $0x0;
	s26 =	simm.s32 $0x1C800  }
0xbb: {  	[tilespmem:s26], [sflag:$0x2] =	stream.indirect_vreg.gather [hbm4b:s7+s3], $0x80, v3, vm0, $0xb8;
	[tilespmem:$0x1D000] =	vst v63  }
.LBB2_2:
0xbc: {  	_ =	swait.ge [sflag:s19], $0xE000  }
0xbd: {  	s25 =	rddreg [dreg:$0x4];
	[sflag:s19] =	ssyncset.done $0x0  }
0xbe: {  	s2 =	simm.s32 $0x1000;
	[sflag:s19] =	ssyncadd.s32 $0xFFFF2000;
	s25 =	sadd.s32 s24, s25  }
0xbf: {  	[hbm4b:s25+s3] =	stream.linear.scatter [tilespmem:s2], [sflag:$0x3], $0xE000, $0x38;
	[tilespmem:$0x1D000] =	vst v63  }
0xc0: {  	_ =	swait.ge [sflag:s20], $0xE000  }
0xc1: {  	[sflag:s20] =	ssyncset.done $0x0  }
0xc2: {  	s30 =	simm.s32 $0xF000;
	s25 =	sadd.s32 $0x1C00, s25;
	[sflag:s20] =	ssyncadd.s32 $0xFFFF2000  }
0xc3: {  	[hbm4b:s25+s3] =	stream.linear.scatter [tilespmem:s30], [sflag:$0x4], $0xE000, $0x38;
	[tilespmem:$0x1D000] =	vst v63  }
0xc4: {  	_ =	swait.ge [sflag:s21], $0xE000  }
0xc5: {  	[sflag:s21] =	ssyncset.done $0x0  }
0xc6: {  	[sflag:s21] =	ssyncadd.s32 $0xFFFF2000  }
0xc7: {  	v3 =	vld [tilespmem:s23+$0xFFFFFF50];
	_ =	sdelay $0x4  }
0xc8: {  	v4 =	vshll.u32 v3, $0x3  }
0xc9: {  	v3 =	vand.u32 $0x7, v3;
	v4 =	vand.u32 $0xFFFFFFC0, v4  }
0xca: {  	v3 =	vor.u32 v3, v4  }
0xcb: {  	v4 =	vperm.xlane v3, v0;
	_ =	sdelay $0x1  }
0xcc: {  	v4 =	vadd.s32 v1, v4;
	_ =	sdelay $0x4  }
0xcd: {  	[tilespmem:s2], [sflag:$0x1] =	stream.indirect_vreg.gather [hbm4b:s1+s3], $0x80, v4, vm0, $0xb8;
	[tilespmem:$0x1D000] =	vst v63  }
0xce: {  	s25 =	simm.s32 $0x1800;
	v3 =	vperm.xlane v3, v2  }
0xcf: {  	[tilespmem:s25], [sflag:$0x1] =	stream.indirect_vreg.gather [hbm4b:s5+s3], $0x80, v4, vm0, $0xb8;
	[tilespmem:$0x1D000] =	vst v63  }
0xd0: {  	v3 =	vadd.s32 v1, v3;
	s2 =	simm.s32 $0x2000  }
0xd1: {  	[tilespmem:s2], [sflag:$0x1] =	stream.indirect_vreg.gather [hbm4b:s6+s3], $0x80, v4, vm0, $0xb8;
	[tilespmem:$0x1D000] =	vst v63  }
0xd2: {  	s2 =	simm.s32 $0x2800  }
0xd3: {  	[tilespmem:s2], [sflag:$0x1] =	stream.indirect_vreg.gather [hbm4b:s7+s3], $0x80, v4, vm0, $0xb8;
	[tilespmem:$0x1D000] =	vst v63  }
0xd4: {  	s2 =	simm.s32 $0x3000  }
0xd5: {  	[tilespmem:s2], [sflag:$0x1] =	stream.indirect_vreg.gather [hbm4b:s1+s3], $0x80, v3, vm0, $0xb8;
	[tilespmem:$0x1D000] =	vst v63  }
0xd6: {  	s2 =	simm.s32 $0x3800  }
0xd7: {  	[tilespmem:s2], [sflag:$0x1] =	stream.indirect_vreg.gather [hbm4b:s5+s3], $0x80, v3, vm0, $0xb8;
	[tilespmem:$0x1D000] =	vst v63  }
0xd8: {  	s2 =	simm.s32 $0x4000  }
0xd9: {  	[tilespmem:s2], [sflag:$0x1] =	stream.indirect_vreg.gather [hbm4b:s6+s3], $0x80, v3, vm0, $0xb8;
	[tilespmem:$0x1D000] =	vst v63  }
0xda: {  	s2 =	simm.s32 $0x4800  }
0xdb: {  	[tilespmem:s2], [sflag:$0x1] =	stream.indirect_vreg.gather [hbm4b:s7+s3], $0x80, v3, vm0, $0xb8;
	[tilespmem:$0x1D000] =	vst v63  }
0xdc: {  	v3 =	vld [tilespmem:s23+$0xFFFFFF60];
	_ =	sdelay $0x4  }
0xdd: {  	v57 =	vshll.u32 v3, $0x3  }
0xde: {  	v3 =	vand.u32 $0x7, v3;
	v4 =	vand.u32 $0xFFFFFFC0, v57  }
0xdf: {  	v3 =	vor.u32 v3, v4  }
0xe0: {  	v4 =	vperm.xlane v3, v0;
	_ =	sdelay $0x1  }
0xe1: {  	v4 =	vadd.s32 v1, v4;
	_ =	sdelay $0x4  }
0xe2: {  	[tilespmem:s0], [sflag:$0x1] =	stream.indirect_vreg.gather [hbm4b:s1+s3], $0x80, v4, vm0, $0xb8;
	[tilespmem:$0x1D000] =	vst v63  }
0xe3: {  	v3 =	vperm.xlane v3, v2  }
0xe4: {  	[tilespmem:s4], [sflag:$0x1] =	stream.indirect_vreg.gather [hbm4b:s5+s3], $0x80, v4, vm0, $0xb8;
	[tilespmem:$0x1D000] =	vst v63  }
0xe5: {  	v3 =	vadd.s32 v1, v3  }
0xe6: {  	[tilespmem:s8], [sflag:$0x1] =	stream.indirect_vreg.gather [hbm4b:s6+s3], $0x80, v4, vm0, $0xb8;
	[tilespmem:$0x1D000] =	vst v63  }
0xe7: {  	_ = 	snop  }
0xe8: {  	[tilespmem:s9], [sflag:$0x1] =	stream.indirect_vreg.gather [hbm4b:s7+s3], $0x80, v4, vm0, $0xb8;
	[tilespmem:$0x1D000] =	vst v63  }
0xe9: {  	_ = 	snop  }
0xea: {  	[tilespmem:s10], [sflag:$0x1] =	stream.indirect_vreg.gather [hbm4b:s1+s3], $0x80, v3, vm0, $0xb8;
	[tilespmem:$0x1D000] =	vst v63  }
0xeb: {  	_ = 	snop  }
0xec: {  	[tilespmem:s11], [sflag:$0x1] =	stream.indirect_vreg.gather [hbm4b:s5+s3], $0x80, v3, vm0, $0xb8;
	[tilespmem:$0x1D000] =	vst v63  }
0xed: {  	_ = 	snop  }
0xee: {  	[tilespmem:s13], [sflag:$0x1] =	stream.indirect_vreg.gather [hbm4b:s6+s3], $0x80, v3, vm0, $0xb8;
	[tilespmem:$0x1D000] =	vst v63  }
0xef: {  	_ = 	snop  }
0xf0: {  	[tilespmem:s14], [sflag:$0x1] =	stream.indirect_vreg.gather [hbm4b:s7+s3], $0x80, v3, vm0, $0xb8;
	[tilespmem:$0x1D000] =	vst v63  }
0xf1: {  	v3 =	vld [tilespmem:s23+$0xFFFFFF70];
	_ =	sdelay $0x4  }
0xf2: {  	v58 =	vshll.u32 v3, $0x3  }
0xf3: {  	v3 =	vand.u32 $0x7, v3;
	v4 =	vand.u32 $0xFFFFFFC0, v58  }
0xf4: {  	v3 =	vor.u32 v3, v4  }
0xf5: {  	v4 =	vperm.xlane v3, v0;
	_ =	sdelay $0x1  }
0xf6: {  	v4 =	vadd.s32 v1, v4;
	_ =	sdelay $0x4  }
0xf7: {  	[tilespmem:s16], [sflag:$0x1] =	stream.indirect_vreg.gather [hbm4b:s1+s3], $0x80, v4, vm0, $0xb8;
	[tilespmem:$0x1D000] =	vst v63  }
0xf8: {  	v3 =	vperm.xlane v3, v2  }
0xf9: {  	[tilespmem:s17], [sflag:$0x1] =	stream.indirect_vreg.gather [hbm4b:s5+s3], $0x80, v4, vm0, $0xb8;
	[tilespmem:$0x1D000] =	vst v63  }
0xfa: {  	v3 =	vadd.s32 v1, v3  }
0xfb: {  	[tilespmem:s18], [sflag:$0x1] =	stream.indirect_vreg.gather [hbm4b:s6+s3], $0x80, v4, vm0, $0xb8;
	[tilespmem:$0x1D000] =	vst v63  }
0xfc: {  	_ = 	snop  }
0xfd: {  	[tilespmem:s12], [sflag:$0x1] =	stream.indirect_vreg.gather [hbm4b:s7+s3], $0x80, v4, vm0, $0xb8;
	[tilespmem:$0x1D000] =	vst v63  }
0xfe: {  	_ = 	snop  }
0xff: {  	[tilespmem:s28], [sflag:$0x1] =	stream.indirect_vreg.gather [hbm4b:s1+s3], $0x80, v3, vm0, $0xb8;
	[tilespmem:$0x1D000] =	vst v63  }
0x100: {  	s2 =	simm.s32 $0xB800  }
0x101: {  	[tilespmem:s2], [sflag:$0x1] =	stream.indirect_vreg.gather [hbm4b:s5+s3], $0x80, v3, vm0, $0xb8;
	[tilespmem:$0x1D000] =	vst v63  }
0x102: {  	s2 =	simm.s32 $0xC000  }
0x103: {  	[tilespmem:s2], [sflag:$0x1] =	stream.indirect_vreg.gather [hbm4b:s6+s3], $0x80, v3, vm0, $0xb8;
	[tilespmem:$0x1D000] =	vst v63  }
0x104: {  	s2 =	simm.s32 $0xC800  }
0x105: {  	[tilespmem:s2], [sflag:$0x1] =	stream.indirect_vreg.gather [hbm4b:s7+s3], $0x80, v3, vm0, $0xb8;
	[tilespmem:$0x1D000] =	vst v63  }
0x106: {  	v3 =	vld.msk [tilespmem:s23+$0xFFFFFF80], $0xff;
	_ =	sdelay $0x4  }
0x107: {  	v59 =	vshll.u32 v3, $0x3  }
0x108: {  	v3 =	vand.u32 $0x7, v3;
	v4 =	vand.u32 $0xFFFFFFC0, v59  }
0x109: {  	v3 =	vor.u32 v3, v4  }
0x10a: {  	v3 =	vperm.xlane v3, v0;
	_ =	sdelay $0x1  }
0x10b: {  	v3 =	vadd.s32 v1, v3;
	_ =	sdelay $0x3  }
0x10c: {  	s2 =	simm.s32 $0xD000  }
0x10d: {  	[tilespmem:s2], [sflag:$0x1] =	stream.indirect_vreg.gather [hbm4b:s1+s3], $0x80, v3, vm0, $0xb8;
	[tilespmem:$0x1D000] =	vst v63  }
0x10e: {  	s2 =	simm.s32 $0xD800  }
0x10f: {  	[tilespmem:s2], [sflag:$0x1] =	stream.indirect_vreg.gather [hbm4b:s5+s3], $0x80, v3, vm0, $0xb8;
	[tilespmem:$0x1D000] =	vst v63  }
0x110: {  	s2 =	simm.s32 $0xE000  }
0x111: {  	[tilespmem:s2], [sflag:$0x1] =	stream.indirect_vreg.gather [hbm4b:s6+s3], $0x80, v3, vm0, $0xb8;
	[tilespmem:$0x1D000] =	vst v63  }
0x112: {  	s2 =	simm.s32 $0xE800  }
0x113: {  	[tilespmem:s2], [sflag:$0x1] =	stream.indirect_vreg.gather [hbm4b:s7+s3], $0x80, v3, vm0, $0xb8;
	[tilespmem:$0x1D000] =	vst v63  }
0x114: {  	_ =	swait.ge [sflag:s22], $0xE000  }
0x115: {  	[sflag:s22] =	ssyncset.done $0x0  }
0x116: {  	[sflag:s22] =	ssyncadd.s32 $0xFFFF2000  }
0x117: {  	v3 =	vld [tilespmem:s23+$0xFFFFFFD0];
	_ =	sdelay $0x4  }
0x118: {  	v60 =	vshll.u32 v3, $0x3  }
0x119: {  	v3 =	vand.u32 $0x7, v3;
	v4 =	vand.u32 $0xFFFFFFC0, v60  }
0x11a: {  	v3 =	vor.u32 v3, v4  }
0x11b: {  	v4 =	vperm.xlane v3, v0;
	_ =	sdelay $0x1  }
0x11c: {  	v4 =	vadd.s32 v1, v4;
	_ =	sdelay $0x4  }
0x11d: {  	[tilespmem:s30], [sflag:$0x2] =	stream.indirect_vreg.gather [hbm4b:s1+s3], $0x80, v4, vm0, $0xb8;
	[tilespmem:$0x1D000] =	vst v63  }
0x11e: {  	v3 =	vperm.xlane v3, v2;
	s30 =	simm.s32 $0xF800  }
0x11f: {  	[tilespmem:s30], [sflag:$0x2] =	stream.indirect_vreg.gather [hbm4b:s5+s3], $0x80, v4, vm0, $0xb8;
	[tilespmem:$0x1D000] =	vst v63  }
0x120: {  	v3 =	vadd.s32 v1, v3;
	s30 =	simm.s32 $0x10000  }
0x121: {  	[tilespmem:s30], [sflag:$0x2] =	stream.indirect_vreg.gather [hbm4b:s6+s3], $0x80, v4, vm0, $0xb8;
	[tilespmem:$0x1D000] =	vst v63  }
0x122: {  	s30 =	simm.s32 $0x10800  }
0x123: {  	[tilespmem:s30], [sflag:$0x2] =	stream.indirect_vreg.gather [hbm4b:s7+s3], $0x80, v4, vm0, $0xb8;
	[tilespmem:$0x1D000] =	vst v63  }
0x124: {  	s30 =	simm.s32 $0x11000  }
0x125: {  	[tilespmem:s30], [sflag:$0x2] =	stream.indirect_vreg.gather [hbm4b:s1+s3], $0x80, v3, vm0, $0xb8;
	[tilespmem:$0x1D000] =	vst v63  }
0x126: {  	s30 =	simm.s32 $0x11800  }
0x127: {  	[tilespmem:s30], [sflag:$0x2] =	stream.indirect_vreg.gather [hbm4b:s5+s3], $0x80, v3, vm0, $0xb8;
	[tilespmem:$0x1D000] =	vst v63  }
0x128: {  	s30 =	simm.s32 $0x12000  }
0x129: {  	[tilespmem:s30], [sflag:$0x2] =	stream.indirect_vreg.gather [hbm4b:s6+s3], $0x80, v3, vm0, $0xb8;
	[tilespmem:$0x1D000] =	vst v63  }
0x12a: {  	s30 =	simm.s32 $0x12800  }
0x12b: {  	[tilespmem:s30], [sflag:$0x2] =	stream.indirect_vreg.gather [hbm4b:s7+s3], $0x80, v3, vm0, $0xb8;
	[tilespmem:$0x1D000] =	vst v63  }
0x12c: {  	v3 =	vld [tilespmem:s23+$0xFFFFFFE0];
	_ =	sdelay $0x4  }
0x12d: {  	v61 =	vshll.u32 v3, $0x3  }
0x12e: {  	v3 =	vand.u32 $0x7, v3;
	v4 =	vand.u32 $0xFFFFFFC0, v61  }
0x12f: {  	v3 =	vor.u32 v3, v4  }
0x130: {  	v4 =	vperm.xlane v3, v0;
	_ =	sdelay $0x1  }
0x131: {  	v4 =	vadd.s32 v1, v4;
	_ =	sdelay $0x3  }
0x132: {  	s30 =	simm.s32 $0x13000  }
0x133: {  	[tilespmem:s30], [sflag:$0x2] =	stream.indirect_vreg.gather [hbm4b:s1+s3], $0x80, v4, vm0, $0xb8;
	[tilespmem:$0x1D000] =	vst v63  }
0x134: {  	v3 =	vperm.xlane v3, v2;
	s30 =	simm.s32 $0x13800  }
0x135: {  	[tilespmem:s30], [sflag:$0x2] =	stream.indirect_vreg.gather [hbm4b:s5+s3], $0x80, v4, vm0, $0xb8;
	[tilespmem:$0x1D000] =	vst v63  }
0x136: {  	v3 =	vadd.s32 v1, v3;
	s30 =	simm.s32 $0x14000  }
0x137: {  	[tilespmem:s30], [sflag:$0x2] =	stream.indirect_vreg.gather [hbm4b:s6+s3], $0x80, v4, vm0, $0xb8;
	[tilespmem:$0x1D000] =	vst v63  }
0x138: {  	s30 =	simm.s32 $0x14800  }
0x139: {  	[tilespmem:s30], [sflag:$0x2] =	stream.indirect_vreg.gather [hbm4b:s7+s3], $0x80, v4, vm0, $0xb8;
	[tilespmem:$0x1D000] =	vst v63  }
0x13a: {  	s30 =	simm.s32 $0x15000  }
0x13b: {  	[tilespmem:s30], [sflag:$0x2] =	stream.indirect_vreg.gather [hbm4b:s1+s3], $0x80, v3, vm0, $0xb8;
	[tilespmem:$0x1D000] =	vst v63  }
0x13c: {  	s30 =	simm.s32 $0x15800  }
0x13d: {  	[tilespmem:s30], [sflag:$0x2] =	stream.indirect_vreg.gather [hbm4b:s5+s3], $0x80, v3, vm0, $0xb8;
	[tilespmem:$0x1D000] =	vst v63  }
0x13e: {  	s30 =	simm.s32 $0x16000  }
0x13f: {  	[tilespmem:s30], [sflag:$0x2] =	stream.indirect_vreg.gather [hbm4b:s6+s3], $0x80, v3, vm0, $0xb8;
	[tilespmem:$0x1D000] =	vst v63  }
0x140: {  	s30 =	simm.s32 $0x16800  }
0x141: {  	[tilespmem:s30], [sflag:$0x2] =	stream.indirect_vreg.gather [hbm4b:s7+s3], $0x80, v3, vm0, $0xb8;
	[tilespmem:$0x1D000] =	vst v63  }
0x142: {  	v3 =	vld [tilespmem:s23+$0xFFFFFFF0];
	_ =	sdelay $0x4  }
0x143: {  	v62 =	vshll.u32 v3, $0x3  }
0x144: {  	v3 =	vand.u32 $0x7, v3;
	v4 =	vand.u32 $0xFFFFFFC0, v62  }
0x145: {  	v3 =	vor.u32 v3, v4  }
0x146: {  	v4 =	vperm.xlane v3, v0;
	_ =	sdelay $0x1  }
0x147: {  	v4 =	vadd.s32 v1, v4;
	_ =	sdelay $0x3  }
0x148: {  	s30 =	simm.s32 $0x17000  }
0x149: {  	[tilespmem:s30], [sflag:$0x2] =	stream.indirect_vreg.gather [hbm4b:s1+s3], $0x80, v4, vm0, $0xb8;
	[tilespmem:$0x1D000] =	vst v63  }
0x14a: {  	v3 =	vperm.xlane v3, v2;
	s30 =	simm.s32 $0x17800  }
0x14b: {  	[tilespmem:s30], [sflag:$0x2] =	stream.indirect_vreg.gather [hbm4b:s5+s3], $0x80, v4, vm0, $0xb8;
	[tilespmem:$0x1D000] =	vst v63  }
0x14c: {  	v3 =	vadd.s32 v1, v3;
	s30 =	simm.s32 $0x18000  }
0x14d: {  	[tilespmem:s30], [sflag:$0x2] =	stream.indirect_vreg.gather [hbm4b:s6+s3], $0x80, v4, vm0, $0xb8;
	[tilespmem:$0x1D000] =	vst v63  }
0x14e: {  	s30 =	simm.s32 $0x18800  }
0x14f: {  	[tilespmem:s30], [sflag:$0x2] =	stream.indirect_vreg.gather [hbm4b:s7+s3], $0x80, v4, vm0, $0xb8;
	[tilespmem:$0x1D000] =	vst v63  }
0x150: {  	s30 =	simm.s32 $0x19000  }
0x151: {  	[tilespmem:s30], [sflag:$0x2] =	stream.indirect_vreg.gather [hbm4b:s1+s3], $0x80, v3, vm0, $0xb8;
	[tilespmem:$0x1D000] =	vst v63  }
0x152: {  	s30 =	simm.s32 $0x19800  }
0x153: {  	[tilespmem:s30], [sflag:$0x2] =	stream.indirect_vreg.gather [hbm4b:s5+s3], $0x80, v3, vm0, $0xb8;
	[tilespmem:$0x1D000] =	vst v63  }
0x154: {  	s30 =	simm.s32 $0x1A000  }
0x155: {  	[tilespmem:s30], [sflag:$0x2] =	stream.indirect_vreg.gather [hbm4b:s6+s3], $0x80, v3, vm0, $0xb8;
	[tilespmem:$0x1D000] =	vst v63  }
0x156: {  	s30 =	simm.s32 $0x1A800  }
0x157: {  	[tilespmem:s30], [sflag:$0x2] =	stream.indirect_vreg.gather [hbm4b:s7+s3], $0x80, v3, vm0, $0xb8;
	[tilespmem:$0x1D000] =	vst v63  }
0x158: {  	v3 =	vld.msk [tilespmem:s23+$0x0], $0xff;
	_ =	sdelay $0x4  }
0x159: {  	v63 =	vshll.u32 v3, $0x3  }
0x15a: {  	v3 =	vand.u32 $0x7, v3;
	v4 =	vand.u32 $0xFFFFFFC0, v63  }
0x15b: {  	v3 =	vor.u32 v3, v4  }
0x15c: {  	v3 =	vperm.xlane v3, v0;
	_ =	sdelay $0x1  }
0x15d: {  	v3 =	vadd.s32 v1, v3;
	_ =	sdelay $0x3  }
0x15e: {  	s30 =	simm.s32 $0x1B000  }
0x15f: {  	[tilespmem:s30], [sflag:$0x2] =	stream.indirect_vreg.gather [hbm4b:s1+s3], $0x80, v3, vm0, $0xb8;
	[tilespmem:$0x1D000] =	vst v63  }
0x160: {  	p0 =	sne.s32 s24, $0x31000  }
0x161: {  	[tilespmem:s29], [sflag:$0x2] =	stream.indirect_vreg.gather [hbm4b:s5+s3], $0x80, v3, vm0, $0xb8;
	[tilespmem:$0x1D000] =	vst v63  }
.Ltmp0:
0x162: {  	_ = 	snop;
	(pc) =	sbr.rel @p0 .LBB2_2-.Ltmp0, $4  }
0x163: {  	s15 =	simm.s32 $0x1000  }
0x164: {  	[tilespmem:s31], [sflag:$0x2] =	stream.indirect_vreg.gather [hbm4b:s6+s3], $0x80, v3, vm0, $0xb8;
	[tilespmem:$0x1D000] =	vst v63  }
0x165: {  	s24 =	sadd.s32 $0x3800, s24;
	s2 =	simm.s32 $0xF000;
	s23 =	sadd.s32 $0x100, s23  }
0x166: {  	[tilespmem:s26], [sflag:$0x2] =	stream.indirect_vreg.gather [hbm4b:s7+s3], $0x80, v3, vm0, $0xb8;
	[tilespmem:$0x1D000] =	vst v63  }
0x167: {  	_ =	swait.ge [sflag:s19], $0xE000  }
0x168: {  	[sflag:s19] =	ssyncset.done $0x0  }
0x169: {  	s23 =	rddreg [dreg:$0x6];
	[sflag:s19] =	ssyncadd.s32 $0xFFFF2000  }
0x16a: {  	[hbm4b:s23+s3] =	stream.linear.scatter [tilespmem:s15], [sflag:$0x3], $0xE000, $0x38;
	[tilespmem:$0x1D000] =	vst v63  }
0x16b: {  	_ =	swait.ge [sflag:s20], $0xE000  }
0x16c: {  	[sflag:s20] =	ssyncset.done $0x0  }
0x16d: {  	s24 =	rddreg [dreg:$0x7];
	[sflag:s20] =	ssyncadd.s32 $0xFFFF2000  }
0x16e: {  	[hbm4b:s24+s3] =	stream.linear.scatter [tilespmem:s2], [sflag:$0x4], $0xE000, $0x38;
	[tilespmem:$0x1D000] =	vst v63  }
0x16f: {  	_ =	swait.ge [sflag:s21], $0xE000  }
0x170: {  	[sflag:s21] =	ssyncset.done $0x0  }
0x171: {  	[sflag:s21] =	ssyncadd.s32 $0xFFFF2000  }
0x172: {  	s28 =	simm.s32 $0x3000;
	s29 =	simm.s32 $0x3800;
	_ =	swait.ge [sflag:s22], $0xE000  }
0x173: {  	s30 =	simm.s32 $0x4000;
	s18 =	simm.s32 $0x4800;
	s0 =	rddreg [dreg:$0x9]  }
0x174: {  	s4 =	simm.s32 $0x5800;
	s26 =	rddreg [dreg:$0x8];
	s0 =	sadd.s32 $0x1, s0  }
0x175: {  	s8 =	simm.s32 $0x6000;
	s9 =	simm.s32 $0x6800;
	p0 =	sne.s32 s0, s26  }
.Ltmp1:
0x176: {  	s10 =	simm.s32 $0x7000;
	s11 =	simm.s32 $0x7800;
	(pc) =	sbr.rel @p0 .LBB2_1-.Ltmp1, $4  }
0x177: {  	s13 =	simm.s32 $0x8000;
	s14 =	simm.s32 $0x8800;
	s16 =	simm.s32 $0x9000  }
0x178: {  	s17 =	simm.s32 $0x9800;
	s12 =	simm.s32 $0xA800;
	[sflag:s22] =	ssyncset.done $0x0  }
0x179: {  	s31 =	simm.s32 $0xB000;
	s24 =	simm.s32 $0x2000;
	[sflag:s22] =	ssyncadd.s32 $0xFFFF2000  }
0x17a: {  	[dreg:$0x9] =	wrdreg s0;
	s26 =	simm.s32 $0x2800;
	s0 =	simm.s32 $0x5000  }
0x17b: {  	_ =	sfence.sel $0x180000  }
0x17c: {  	[bflag:$0x0] =	sbarrier.arrive $0xFFFF  }
0x17d: {  	_ =	strace $0x90000047  }
0x17e: {  	s0 =	stileid.u32;
	[bflag:$0x2] =	sbarrier.arrive $0xFFFF  }
0x17f: {  	p0 =	sne.s32 s0, $0x0;
	s0 =	rddreg [dreg:$0x3]  }
0x180: {  	s0 =	sadd.s32 @!p0 $0x100000, s0  }
0x181: {  	[sflag:s0] =	ssyncadd.tile.s32 @!p0 $0x1;
	_ =	shalt  }
.Lfunc_end2:
_tile_overlayer_lowered:
.L_overlay_start_2:
0x182: {  	(tag) =	ssettag $0x2  }
0x183: {  	s0 =	rddreg [dreg:$0x0];
	s2 =	stileid.u32  }
0x184: {  	s1 =	rddreg [dreg:$0x1];
	p0 =	sne.s32 s2, $0x0  }
0x185: {  	s3 =	rddreg [dreg:$0x2];
	[bflag:$0x3] =	sbarrier.arrive $0xFFFF;
	s2 =	simm.s32 @!p0 $0x1C05  }
0x186: {  	[timem:s3], [sflag:s2] =	dma.local @!p0 [hbm:s0], s1  }
0x187: {  	s0 =	simm.s32 @!p0 $0x5  }
0x188: {  	_ =	swait.ge @!p0 [sflag:s0], s1  }
0x189: {  	s1 =	ssub.s32 @!p0 $0x0, s1;
	[sflag:s0] =	ssyncset.done @!p0 $0x0  }
0x18a: {  	[sflag:s0] =	ssyncadd.s32 @!p0 s1  }
0x18b: {  	[bflag:$0x3] =	sbarrier.arrive $0xFFFF  }
0x18c: {  	_ =	shalt  }

</sc_bundles>
